<compile_context>
chip_gen: v7x
topology: tpu7x:2x2x1
jax: 0.10.2.dev20260603
libtpu: 0.0.44.dev20260713+nightly
codegen_flags: <defaults>
</compile_context>

<pallas_src>
import functools

import jax
import jax.numpy as jnp
from jax import lax
from jax.experimental import pallas as pl
from jax.experimental.pallas import tpu as pltpu
from jax.experimental.pallas import tpu_sc as plsc

_LANES = 128
_SUB = 4
_VPAD = 1024
_HALF = _VPAD // 2


def _table_body(embed_ref, w_ref, b_ref, out_ref, wbf_ref, *, vocab):
    rows = embed_ref.shape[0]

    @pl.when(pl.program_id(0) == 0)
    def _():
        wbf_ref[...] = w_ref[...].astype(jnp.bfloat16)

    acc = lax.dot_general(
        embed_ref[...].astype(jnp.bfloat16),
        wbf_ref[...],
        dimension_numbers=(((1,), (1,)), ((), ())),
        preferred_element_type=jnp.float32,
    ) + b_ref[...]
    pad = jnp.zeros((rows, _VPAD - vocab), jnp.float32)
    acc = jnp.concatenate([acc, pad], axis=1)
    lo = lax.bitcast_convert_type(acc[:, :_HALF], jnp.uint32)
    hi = lax.bitcast_convert_type(acc[:, _HALF:], jnp.uint32)
    word = (((hi + 0x8000) & jnp.uint32(0xFFFF0000))
            | ((lo + 0x8000) >> 16))
    pf = lax.bitcast_convert_type(word, jnp.float32)
    for c in range(_SUB):
        out_ref[:, c, :] = pf[:, c * _LANES:(c + 1) * _LANES]


def _make_gather(n_tok, nc, ns):
    nw = nc * ns
    assert n_tok % nw == 0
    b_per_w = n_tok // nw
    chunk = b_per_w // 2
    mesh = plsc.VectorSubcoreMesh(core_axis_name="c", subcore_axis_name="s")

    @functools.partial(
        pl.kernel,
        mesh=mesh,
        compiler_params=pltpu.CompilerParams(use_tc_tiling_on_sc=False),
        out_type=jax.ShapeDtypeStruct((n_tok, _SUB, _LANES), jnp.float32),
        scratch_types=[
            pltpu.VMEM((b_per_w,), jnp.int32),
            pltpu.VMEM((chunk, _SUB, _LANES), jnp.float32),
            pltpu.VMEM((chunk, _SUB, _LANES), jnp.float32),
            pltpu.SemaphoreType.DMA,
            pltpu.SemaphoreType.DMA,
        ],
    )
    def gather(table_hbm, idx_hbm, out_hbm, idx_v, buf0, buf1, sem0, sem1):
        wid = lax.axis_index("s") * nc + lax.axis_index("c")
        base = wid * b_per_w
        pltpu.sync_copy(idx_hbm.at[pl.ds(base, b_per_w)], idx_v)
        d0 = pltpu.async_copy(table_hbm.at[idx_v.at[pl.ds(0, chunk)]],
                              buf0, sem0)
        d1 = pltpu.async_copy(table_hbm.at[idx_v.at[pl.ds(chunk, chunk)]],
                              buf1, sem1)
        d0.wait()
        pltpu.sync_copy(buf0, out_hbm.at[pl.ds(base, chunk)])
        d1.wait()
        pltpu.sync_copy(buf1, out_hbm.at[pl.ds(base + chunk, chunk)])

    return gather


def _transpose_body(g_ref, out_ref, *, vocab):
    for c in range(_SUB):
        xw = lax.bitcast_convert_type(g_ref[:, c, :], jnp.int32)
        xt = xw.T
        lo_f = lax.bitcast_convert_type(xt << 16, jnp.float32)
        hi_f = lax.bitcast_convert_type(xt & jnp.int32(-65536), jnp.float32)
        v0 = c * _LANES
        out_ref[0, v0:v0 + _LANES, :] = lo_f
        v1 = _HALF + c * _LANES
        v1_hi = min(v1 + _LANES, vocab)
        if v1_hi > v1:
            out_ref[0, v1:v1_hi, :] = hi_f[: v1_hi - v1, :]


def kernel(input_ids, embed, W, b):
    batch, seq = input_ids.shape
    vocab, d_model = W.shape
    n_tok = batch * seq

    rows_blk = 200
    n_rblk = vocab // rows_blk
    table3 = pl.pallas_call(
        functools.partial(_table_body, vocab=vocab),
        grid=(n_rblk,),
        in_specs=[
            pl.BlockSpec((rows_blk, d_model), lambda ri: (ri, 0)),
            pl.BlockSpec((vocab, d_model), lambda ri: (0, 0)),
            pl.BlockSpec((1, vocab), lambda ri: (0, 0)),
        ],
        out_specs=pl.BlockSpec((rows_blk, _SUB, _LANES), lambda ri: (ri, 0, 0)),
        out_shape=jax.ShapeDtypeStruct((vocab, _SUB, _LANES), jnp.float32),
        scratch_shapes=[pltpu.VMEM((vocab, d_model), jnp.bfloat16)],
    )(embed, W, b.reshape(1, vocab))

    info = plsc.get_sparse_core_info()
    gather = _make_gather(n_tok, info.num_cores, info.num_subcores)
    ids = input_ids.reshape(n_tok).astype(jnp.int32)
    rows3 = gather(table3, ids)

    s_blk = 2048
    n_sblk = seq // s_blk
    out3 = pl.pallas_call(
        functools.partial(_transpose_body, vocab=vocab),
        grid=(batch, n_sblk),
        in_specs=[
            pl.BlockSpec((s_blk, _SUB, _LANES),
                         lambda bi, si: (bi * n_sblk + si, 0, 0)),
        ],
        out_specs=pl.BlockSpec((1, vocab, s_blk), lambda bi, si: (bi, 0, si)),
        out_shape=jax.ShapeDtypeStruct((batch, vocab, seq), jnp.float32),
    )(rows3)

    return jnp.swapaxes(out3, 1, 2)

# --- scband reference (transcript-rebuilt; emitter-appended) ---
"""Pipeline reference for scband-tiny-transformer-70918499991632 (READ-ONLY COPY).

The authoritative reference and input builder live on the scoring server;
editing this copy changes nothing except your own understanding.
"""

import jax, jax.numpy as jnp
import numpy as np

VOCAB = 1000
D_MODEL = 2048
BATCH = 2
SEQ = 2048

def setup_inputs(seed: int = 0) -> dict:
    key = jax.random.key(seed)
    k_ids, k_emb, k_w, k_b = jax.random.split(key, 4)
    input_ids = jax.random.randint(k_ids, (BATCH, SEQ), 0, VOCAB, dtype=jnp.int64 if jax.config.jax_enable_x64 else jnp.int32)
    # learned params
    embed = jax.random.normal(k_emb, (VOCAB, D_MODEL), dtype=jnp.float32)
    # nn.Linear(d_model, vocab): weight [vocab, d_model], bias [vocab]
    bound = 1.0 / np.sqrt(D_MODEL)
    W = jax.random.uniform(k_w, (VOCAB, D_MODEL), dtype=jnp.float32, minval=-bound, maxval=bound)
    b = jax.random.uniform(k_b, (VOCAB,), dtype=jnp.float32, minval=-bound, maxval=bound)
    return {"input_ids": input_ids, "embed": embed, "W": W, "b": b}

def reference(input_ids, embed, W, b):
    # x = self.embed(input_ids)
    x = jnp.take(embed, input_ids, axis=0)  # [B, S, d_model]
    # return self.linear(x)
    logits = jnp.einsum('bsd,vd->bsv', x, W) + b  # [B, S, vocab]
    return logits

if __name__ == "__main__":
    import jax
    _d = setup_inputs()
    print(jax.jit(kernel)(*tuple(_d.values())))

</pallas_src>

<mosaic_0001>
#map = affine_map<(d0, d1) -> (0, 0, 0)>
#map1 = affine_map<(d0, d1) -> (0)>
module attributes {stable_mosaic.version = 14 : i64} {
  func.func @gather(%arg0: i32, %arg1: i32, %arg2: memref<1000x4x128xf32, #tpu.memory_space<hbm>>, %arg3: memref<4096xi32, #tpu.memory_space<hbm>>, %arg4: memref<4096x4x128xf32, #tpu.memory_space<hbm>>, %arg5: memref<128xi32, #tpu.memory_space<vmem>>, %arg6: memref<64x4x128xf32, #tpu.memory_space<vmem>>, %arg7: memref<64x4x128xf32, #tpu.memory_space<vmem>>, %arg8: memref<!tpu.dma_semaphore, #tpu.memory_space<semaphore_mem>>, %arg9: memref<!tpu.dma_semaphore, #tpu.memory_space<semaphore_mem>>) attributes {dimension_semantics = [#tpu.dimension_semantics<core_parallel>, #tpu.dimension_semantics<subcore_parallel>], iteration_bounds = array<i64: 2, 16>, scalar_prefetch = 0 : i64, scratch_operands = 5 : i64, tpu.core_type = #tpu.core_type<sc_vector_subcore>, window_params = [{transform_indices = #map}, {transform_indices = #map1}, {transform_indices = #map}]} {
    %mul3A = arith.constant 2 : i32
    %mul3A_0 = arith.muli %arg1, %mul3A : i32
    %add3A = arith.addi %mul3A_0, %arg0 : i32
    %mul3A_1 = arith.constant 128 : i32
    %mul3A_2 = arith.muli %add3A, %mul3A_1 : i32
    "tpu.region"() ({
      %run_scoped3A = tpu.sem_alloc : memref<!tpu.dma_semaphore, #tpu.memory_space<semaphore_mem>>
      %dma_start3A_27 = tpu.memref_slice %arg3[%mul3A_2] : memref<4096xi32, #tpu.memory_space<hbm>> -> memref<128xi32, #tpu.memory_space<hbm>>
      %dma_start3A_28 = tpu.memref_slice %arg3[%mul3A_2] : memref<4096xi32, #tpu.memory_space<hbm>> -> memref<128xi32, #tpu.memory_space<hbm>>
      tpu.enqueue_dma source(%dma_start3A_28 : memref<128xi32, #tpu.memory_space<hbm>>) target(%arg5 : memref<128xi32, #tpu.memory_space<vmem>>) target_semaphore(%run_scoped3A : memref<!tpu.dma_semaphore, #tpu.memory_space<semaphore_mem>>)
      %dma_wait3A_29 = tpu.memref_slice %arg3[%mul3A_2] : memref<4096xi32, #tpu.memory_space<hbm>> -> memref<128xi32, #tpu.memory_space<hbm>>
      %dma_wait3A_30 = tpu.memref_slice %arg3[%mul3A_2] : memref<4096xi32, #tpu.memory_space<hbm>> -> memref<128xi32, #tpu.memory_space<hbm>>
      tpu.wait_dma2 semaphore(%run_scoped3A : memref<!tpu.dma_semaphore, #tpu.memory_space<semaphore_mem>>) src(%dma_wait3A_30 : memref<128xi32, #tpu.memory_space<hbm>>) dst(%arg5 : memref<128xi32, #tpu.memory_space<vmem>>)
      tpu.yield
    }) : () -> ()
    %dma_start3A = arith.constant 0 : i32
    %dma_start3A_3 = tpu.memref_slice %arg5[%dma_start3A] : memref<128xi32, #tpu.memory_space<vmem>> -> memref<64xi32, #tpu.memory_space<vmem>>
    %dma_start3A_4 = arith.constant 0 : i32
    %dma_start3A_5 = arith.constant 0 : i32
    %dma_start3A_6 = arith.constant 0 : i32
    %dma_start3A_7 = tpu.memref_slice %arg2[%dma_start3A_4, %dma_start3A_5, %dma_start3A_6] : memref<1000x4x128xf32, #tpu.memory_space<hbm>> -> memref<1000x4x128xf32, #tpu.memory_space<hbm>>
    tpu.enqueue_indirect_dma source(%dma_start3A_7 : memref<1000x4x128xf32, #tpu.memory_space<hbm>>) target(%arg6 : memref<64x4x128xf32, #tpu.memory_space<vmem>>) offsets(%dma_start3A_3 : memref<64xi32, #tpu.memory_space<vmem>>) semaphore(%arg8 : memref<!tpu.dma_semaphore, #tpu.memory_space<semaphore_mem>>)
    %dma_start3A_8 = arith.constant 64 : i32
    %dma_start3A_9 = tpu.memref_slice %arg5[%dma_start3A_8] : memref<128xi32, #tpu.memory_space<vmem>> -> memref<64xi32, #tpu.memory_space<vmem>>
    %dma_start3A_10 = arith.constant 0 : i32
    %dma_start3A_11 = arith.constant 0 : i32
    %dma_start3A_12 = arith.constant 0 : i32
    %dma_start3A_13 = tpu.memref_slice %arg2[%dma_start3A_10, %dma_start3A_11, %dma_start3A_12] : memref<1000x4x128xf32, #tpu.memory_space<hbm>> -> memref<1000x4x128xf32, #tpu.memory_space<hbm>>
    tpu.enqueue_indirect_dma source(%dma_start3A_13 : memref<1000x4x128xf32, #tpu.memory_space<hbm>>) target(%arg7 : memref<64x4x128xf32, #tpu.memory_space<vmem>>) offsets(%dma_start3A_9 : memref<64xi32, #tpu.memory_space<vmem>>) semaphore(%arg9 : memref<!tpu.dma_semaphore, #tpu.memory_space<semaphore_mem>>)
    %dma_wait3A = arith.constant 0 : i32
    %dma_wait3A_14 = tpu.memref_slice %arg5[%dma_wait3A] : memref<128xi32, #tpu.memory_space<vmem>> -> memref<64xi32, #tpu.memory_space<vmem>>
    %dma_wait3A_15 = arith.constant 0 : i32
    %dma_wait3A_16 = arith.constant 0 : i32
    %dma_wait3A_17 = arith.constant 0 : i32
    %dma_wait3A_18 = tpu.memref_slice %arg2[%dma_wait3A_15, %dma_wait3A_16, %dma_wait3A_17] : memref<1000x4x128xf32, #tpu.memory_space<hbm>> -> memref<1000x4x128xf32, #tpu.memory_space<hbm>>
    tpu.wait_indirect_dma semaphore(%arg8 : memref<!tpu.dma_semaphore, #tpu.memory_space<semaphore_mem>>) src(%dma_wait3A_18 : memref<1000x4x128xf32, #tpu.memory_space<hbm>>) dst(%arg6 : memref<64x4x128xf32, #tpu.memory_space<vmem>>)
    "tpu.region"() ({
      %run_scoped3A = tpu.sem_alloc : memref<!tpu.dma_semaphore, #tpu.memory_space<semaphore_mem>>
      %dma_start3A_27 = arith.constant 0 : i32
      %dma_start3A_28 = arith.constant 0 : i32
      %dma_start3A_29 = tpu.memref_slice %arg4[%mul3A_2, %dma_start3A_27, %dma_start3A_28] : memref<4096x4x128xf32, #tpu.memory_space<hbm>> -> memref<64x4x128xf32, #tpu.memory_space<hbm>>
      %dma_start3A_30 = arith.constant 0 : i32
      %dma_start3A_31 = arith.constant 0 : i32
      %dma_start3A_32 = tpu.memref_slice %arg4[%mul3A_2, %dma_start3A_30, %dma_start3A_31] : memref<4096x4x128xf32, #tpu.memory_space<hbm>> -> memref<64x4x128xf32, #tpu.memory_space<hbm>>
      tpu.enqueue_dma source(%arg6 : memref<64x4x128xf32, #tpu.memory_space<vmem>>) target(%dma_start3A_32 : memref<64x4x128xf32, #tpu.memory_space<hbm>>) target_semaphore(%run_scoped3A : memref<!tpu.dma_semaphore, #tpu.memory_space<semaphore_mem>>)
      %dma_wait3A_33 = arith.constant 0 : i32
      %dma_wait3A_34 = arith.constant 0 : i32
      %dma_wait3A_35 = tpu.memref_slice %arg4[%mul3A_2, %dma_wait3A_33, %dma_wait3A_34] : memref<4096x4x128xf32, #tpu.memory_space<hbm>> -> memref<64x4x128xf32, #tpu.memory_space<hbm>>
      %dma_wait3A_36 = arith.constant 0 : i32
      %dma_wait3A_37 = arith.constant 0 : i32
      %dma_wait3A_38 = tpu.memref_slice %arg4[%mul3A_2, %dma_wait3A_36, %dma_wait3A_37] : memref<4096x4x128xf32, #tpu.memory_space<hbm>> -> memref<64x4x128xf32, #tpu.memory_space<hbm>>
      tpu.wait_dma2 semaphore(%run_scoped3A : memref<!tpu.dma_semaphore, #tpu.memory_space<semaphore_mem>>) src(%arg6 : memref<64x4x128xf32, #tpu.memory_space<vmem>>) dst(%dma_wait3A_38 : memref<64x4x128xf32, #tpu.memory_space<hbm>>)
      tpu.yield
    }) : () -> ()
    %dma_wait3A_19 = arith.constant 64 : i32
    %dma_wait3A_20 = tpu.memref_slice %arg5[%dma_wait3A_19] : memref<128xi32, #tpu.memory_space<vmem>> -> memref<64xi32, #tpu.memory_space<vmem>>
    %dma_wait3A_21 = arith.constant 0 : i32
    %dma_wait3A_22 = arith.constant 0 : i32
    %dma_wait3A_23 = arith.constant 0 : i32
    %dma_wait3A_24 = tpu.memref_slice %arg2[%dma_wait3A_21, %dma_wait3A_22, %dma_wait3A_23] : memref<1000x4x128xf32, #tpu.memory_space<hbm>> -> memref<1000x4x128xf32, #tpu.memory_space<hbm>>
    tpu.wait_indirect_dma semaphore(%arg9 : memref<!tpu.dma_semaphore, #tpu.memory_space<semaphore_mem>>) src(%dma_wait3A_24 : memref<1000x4x128xf32, #tpu.memory_space<hbm>>) dst(%arg7 : memref<64x4x128xf32, #tpu.memory_space<vmem>>)
    %add3A_25 = arith.constant 64 : i32
    %add3A_26 = arith.addi %mul3A_2, %add3A_25 : i32
    "tpu.region"() ({
      %run_scoped3A = tpu.sem_alloc : memref<!tpu.dma_semaphore, #tpu.memory_space<semaphore_mem>>
      %dma_start3A_27 = arith.constant 0 : i32
      %dma_start3A_28 = arith.constant 0 : i32
      %dma_start3A_29 = tpu.memref_slice %arg4[%add3A_26, %dma_start3A_27, %dma_start3A_28] : memref<4096x4x128xf32, #tpu.memory_space<hbm>> -> memref<64x4x128xf32, #tpu.memory_space<hbm>>
      %dma_start3A_30 = arith.constant 0 : i32
      %dma_start3A_31 = arith.constant 0 : i32
      %dma_start3A_32 = tpu.memref_slice %arg4[%add3A_26, %dma_start3A_30, %dma_start3A_31] : memref<4096x4x128xf32, #tpu.memory_space<hbm>> -> memref<64x4x128xf32, #tpu.memory_space<hbm>>
      tpu.enqueue_dma source(%arg7 : memref<64x4x128xf32, #tpu.memory_space<vmem>>) target(%dma_start3A_32 : memref<64x4x128xf32, #tpu.memory_space<hbm>>) target_semaphore(%run_scoped3A : memref<!tpu.dma_semaphore, #tpu.memory_space<semaphore_mem>>)
      %dma_wait3A_33 = arith.constant 0 : i32
      %dma_wait3A_34 = arith.constant 0 : i32
      %dma_wait3A_35 = tpu.memref_slice %arg4[%add3A_26, %dma_wait3A_33, %dma_wait3A_34] : memref<4096x4x128xf32, #tpu.memory_space<hbm>> -> memref<64x4x128xf32, #tpu.memory_space<hbm>>
      %dma_wait3A_36 = arith.constant 0 : i32
      %dma_wait3A_37 = arith.constant 0 : i32
      %dma_wait3A_38 = tpu.memref_slice %arg4[%add3A_26, %dma_wait3A_36, %dma_wait3A_37] : memref<4096x4x128xf32, #tpu.memory_space<hbm>> -> memref<64x4x128xf32, #tpu.memory_space<hbm>>
      tpu.wait_dma2 semaphore(%run_scoped3A : memref<!tpu.dma_semaphore, #tpu.memory_space<semaphore_mem>>) src(%arg7 : memref<64x4x128xf32, #tpu.memory_space<vmem>>) dst(%dma_wait3A_38 : memref<64x4x128xf32, #tpu.memory_space<hbm>>)
      tpu.yield
    }) : () -> ()
    return
  }
}

module attributes {stable_mosaic.version = 14 : i64} {
  func.func @_table_body(%arg0: i32, %arg1: memref<200x2048xf32, #tpu.memory_space<vmem>>, %arg2: memref<1000x2048xf32, #tpu.memory_space<vmem>>, %arg3: memref<1x1000xf32, #tpu.memory_space<vmem>>, %arg4: memref<200x4x128xf32, #tpu.memory_space<vmem>>, %arg5: memref<1000x2048xbf16, #tpu.memory_space<vmem>>) attributes {dimension_semantics = [#tpu.dimension_semantics<arbitrary>], iteration_bounds = array<i64: 5>, scalar_prefetch = 0 : i64, scratch_operands = 1 : i64, tpu.core_type = #tpu.core_type<tc>, window_params = [{transform_indices = @transform_0, window_bounds = array<i64: 200, 2048>}, {pipeline_mode = #tpu.pipeline_mode<synchronous>, transform_indices = @transform_1, window_bounds = array<i64: 1000, 2048>}, {pipeline_mode = #tpu.pipeline_mode<synchronous>, transform_indices = @transform_2, window_bounds = array<i64: 1, 1000>}, {transform_indices = @transform_3, window_bounds = array<i64: 200, 4, 128>}]} {
    %eq3A = arith.constant 0 : i32
    %eq3A_0 = arith.cmpi eq, %arg0, %eq3A : i32
    %convert_element_type3A = arith.extui %eq3A_0 : i1 to i32
    %cond3A = arith.constant 0 : i32
    %cond3A_1 = arith.cmpi ne, %convert_element_type3A, %cond3A : i32
    scf.if %cond3A_1 {
      %get3A_54 = arith.constant 0 : index
      %get3A_55 = arith.constant 0 : index
      %get3A_56 = vector.load %arg2[%get3A_54, %get3A_55] : memref<1000x2048xf32, #tpu.memory_space<vmem>>, vector<1000x2048xf32>
      %convert_element_type3A_57 = arith.truncf %get3A_56 : vector<1000x2048xf32> to vector<1000x2048xbf16>
      %swap3A_58 = arith.constant 0 : index
      %swap3A_59 = arith.constant 0 : index
      %swap3A_60 = vector.load %arg5[%swap3A_58, %swap3A_59] : memref<1000x2048xbf16, #tpu.memory_space<vmem>>, vector<1000x2048xbf16>
      tpu.vector_store %arg5[%swap3A_58, %swap3A_59], %convert_element_type3A_57 {strides = array<i32>} : memref<1000x2048xbf16, #tpu.memory_space<vmem>>, vector<1000x2048xbf16>,
    } else {
    }
    %get3A = arith.constant 0 : index
    %get3A_2 = arith.constant 0 : index
    %get3A_3 = vector.load %arg1[%get3A, %get3A_2] : memref<200x2048xf32, #tpu.memory_space<vmem>>, vector<200x2048xf32>
    %convert_element_type3A_4 = arith.truncf %get3A_3 : vector<200x2048xf32> to vector<200x2048xbf16>
    %get3A_5 = arith.constant 0 : index
    %get3A_6 = arith.constant 0 : index
    %get3A_7 = vector.load %arg5[%get3A_5, %get3A_6] : memref<1000x2048xbf16, #tpu.memory_space<vmem>>, vector<1000x2048xbf16>
    %dot_general3A = arith.constant dense<0.000000e+00> : vector<200x1000xf32>
    %dot_general3A_8 = tpu.matmul %convert_element_type3A_4, %get3A_7, %dot_general3A {dimension_numbers = #tpu.dot_dimension_numbers<[1], [1], [0], [0], [0, 0, 1, 0], [], []>, transpose_lhs_hint = false} : vector<200x2048xbf16>, vector<1000x2048xbf16>, vector<200x1000xf32> -> vector<200x1000xf32>
    %get3A_9 = arith.constant 0 : index
    %get3A_10 = arith.constant 0 : index
    %get3A_11 = vector.load %arg3[%get3A_9, %get3A_10] : memref<1x1000xf32, #tpu.memory_space<vmem>>, vector<1x1000xf32>
    %add3A = vector.broadcast %get3A_11 : vector<1x1000xf32> to vector<200x1000xf32>
    %add3A_12 = arith.addf %dot_general3A_8, %add3A : vector<200x1000xf32>
    %broadcast_in_dim3A = arith.constant 0.000000e+00 : f32
    %broadcast_in_dim3A_13 = vector.broadcast %broadcast_in_dim3A : f32 to vector<200x24xf32>
    %concatenate3A = tpu.concatenate %add3A_12, %broadcast_in_dim3A_13 in 1 : vector<200x1000xf32>, vector<200x24xf32> -> vector<200x1024xf32>
    %slice3A = vector.extract_strided_slice %concatenate3A {offsets = [0, 0], sizes = [200, 512], strides = [1, 1]} : vector<200x1024xf32> to vector<200x512xf32>
    %bitcast_convert_type3A = tpu.bitcast %slice3A : vector<200x512xf32> -> vector<200x512xi32>
    %slice3A_14 = vector.extract_strided_slice %concatenate3A {offsets = [0, 512], sizes = [200, 512], strides = [1, 1]} : vector<200x1024xf32> to vector<200x512xf32>
    %bitcast_convert_type3A_15 = tpu.bitcast %slice3A_14 : vector<200x512xf32> -> vector<200x512xi32>
    %add3A_16 = arith.constant 32768 : i32
    %add3A_17 = vector.broadcast %add3A_16 : i32 to vector<200x512xi32>
    %add3A_18 = arith.addi %bitcast_convert_type3A_15, %add3A_17 : vector<200x512xi32>
    %and3A = arith.constant -65536 : i32
    %and3A_19 = vector.broadcast %and3A : i32 to vector<200x512xi32>
    %and3A_20 = arith.andi %add3A_18, %and3A_19 : vector<200x512xi32>
    %add3A_21 = arith.constant 32768 : i32
    %add3A_22 = vector.broadcast %add3A_21 : i32 to vector<200x512xi32>
    %add3A_23 = arith.addi %bitcast_convert_type3A, %add3A_22 : vector<200x512xi32>
    %shift_right_logical3A = arith.constant 16 : i32
    %shift_right_logical3A_24 = vector.broadcast %shift_right_logical3A : i32 to vector<200x512xi32>
    %shift_right_logical3A_25 = arith.shrui %add3A_23, %shift_right_logical3A_24 : vector<200x512xi32>
    %or3A = arith.ori %and3A_20, %shift_right_logical3A_25 : vector<200x512xi32>
    %bitcast_convert_type3A_26 = tpu.bitcast %or3A : vector<200x512xi32> -> vector<200x512xf32>
    %slice3A_27 = vector.extract_strided_slice %bitcast_convert_type3A_26 {offsets = [0, 0], sizes = [200, 128], strides = [1, 1]} : vector<200x512xf32> to vector<200x128xf32>
    %swap3A = arith.constant 0 : index
    %swap3A_28 = arith.constant 0 : index
    %swap3A_29 = arith.constant 0 : index
    %swap3A_30 = vector.load %arg4[%swap3A, %swap3A_28, %swap3A_29] : memref<200x4x128xf32, #tpu.memory_space<vmem>>, vector<200x1x128xf32>
    %swap3A_31 = vector.shape_cast %swap3A_30 : vector<200x1x128xf32> to vector<200x128xf32>
    %swap3A_32 = vector.shape_cast %slice3A_27 : vector<200x128xf32> to vector<200x1x128xf32>
    tpu.vector_store %arg4[%swap3A, %swap3A_28, %swap3A_29], %swap3A_32 {strides = array<i32>} : memref<200x4x128xf32, #tpu.memory_space<vmem>>, vector<200x1x128xf32>,
    %slice3A_33 = vector.extract_strided_slice %bitcast_convert_type3A_26 {offsets = [0, 128], sizes = [200, 128], strides = [1, 1]} : vector<200x512xf32> to vector<200x128xf32>
    %swap3A_34 = arith.constant 0 : index
    %swap3A_35 = arith.constant 1 : index
    %swap3A_36 = arith.constant 0 : index
    %swap3A_37 = vector.load %arg4[%swap3A_34, %swap3A_35, %swap3A_36] : memref<200x4x128xf32, #tpu.memory_space<vmem>>, vector<200x1x128xf32>
    %swap3A_38 = vector.shape_cast %swap3A_37 : vector<200x1x128xf32> to vector<200x128xf32>
    %swap3A_39 = vector.shape_cast %slice3A_33 : vector<200x128xf32> to vector<200x1x128xf32>
    tpu.vector_store %arg4[%swap3A_34, %swap3A_35, %swap3A_36], %swap3A_39 {strides = array<i32>} : memref<200x4x128xf32, #tpu.memory_space<vmem>>, vector<200x1x128xf32>,
    %slice3A_40 = vector.extract_strided_slice %bitcast_convert_type3A_26 {offsets = [0, 256], sizes = [200, 128], strides = [1, 1]} : vector<200x512xf32> to vector<200x128xf32>
    %swap3A_41 = arith.constant 0 : index
    %swap3A_42 = arith.constant 2 : index
    %swap3A_43 = arith.constant 0 : index
    %swap3A_44 = vector.load %arg4[%swap3A_41, %swap3A_42, %swap3A_43] : memref<200x4x128xf32, #tpu.memory_space<vmem>>, vector<200x1x128xf32>
    %swap3A_45 = vector.shape_cast %swap3A_44 : vector<200x1x128xf32> to vector<200x128xf32>
    %swap3A_46 = vector.shape_cast %slice3A_40 : vector<200x128xf32> to vector<200x1x128xf32>
    tpu.vector_store %arg4[%swap3A_41, %swap3A_42, %swap3A_43], %swap3A_46 {strides = array<i32>} : memref<200x4x128xf32, #tpu.memory_space<vmem>>, vector<200x1x128xf32>,
    %slice3A_47 = vector.extract_strided_slice %bitcast_convert_type3A_26 {offsets = [0, 384], sizes = [200, 128], strides = [1, 1]} : vector<200x512xf32> to vector<200x128xf32>
    %swap3A_48 = arith.constant 0 : index
    %swap3A_49 = arith.constant 3 : index
    %swap3A_50 = arith.constant 0 : index
    %swap3A_51 = vector.load %arg4[%swap3A_48, %swap3A_49, %swap3A_50] : memref<200x4x128xf32, #tpu.memory_space<vmem>>, vector<200x1x128xf32>
    %swap3A_52 = vector.shape_cast %swap3A_51 : vector<200x1x128xf32> to vector<200x128xf32>
    %swap3A_53 = vector.shape_cast %slice3A_47 : vector<200x128xf32> to vector<200x1x128xf32>
    tpu.vector_store %arg4[%swap3A_48, %swap3A_49, %swap3A_50], %swap3A_53 {strides = array<i32>} : memref<200x4x128xf32, #tpu.memory_space<vmem>>, vector<200x1x128xf32>,
    return
  }
  func.func @transform_0(%arg0: i32) -> (i32, i32) {
    %c0_i32 = arith.constant 0 : i32
    %c0_i32_0 = arith.constant 0 : i32
    return %arg0, %c0_i32 : i32, i32
  }
  func.func @transform_1(%arg0: i32) -> (i32, i32) {
    %c0_i32 = arith.constant 0 : i32
    %c0_i32_0 = arith.constant 0 : i32
    %c0_i32_1 = arith.constant 0 : i32
    return %c0_i32, %c0_i32_0 : i32, i32
  }
  func.func @transform_2(%arg0: i32) -> (i32, i32) {
    %c0_i32 = arith.constant 0 : i32
    %c0_i32_0 = arith.constant 0 : i32
    %c0_i32_1 = arith.constant 0 : i32
    return %c0_i32, %c0_i32_0 : i32, i32
  }
  func.func @transform_3(%arg0: i32) -> (i32, i32, i32) {
    %c0_i32 = arith.constant 0 : i32
    %c0_i32_0 = arith.constant 0 : i32
    %c0_i32_1 = arith.constant 0 : i32
    return %arg0, %c0_i32, %c0_i32_0 : i32, i32, i32
  }
}

module attributes {stable_mosaic.version = 14 : i64} {
  func.func @_transpose_body(%arg0: i32, %arg1: i32, %arg2: memref<2048x4x128xf32, #tpu.memory_space<vmem>>, %arg3: memref<1x1000x2048xf32, #tpu.memory_space<vmem>>) attributes {dimension_semantics = [#tpu.dimension_semantics<arbitrary>, #tpu.dimension_semantics<arbitrary>], iteration_bounds = array<i64: 2, 1>, scalar_prefetch = 0 : i64, scratch_operands = 0 : i64, tpu.core_type = #tpu.core_type<tc>, window_params = [{transform_indices = @transform_0, window_bounds = array<i64: 2048, 4, 128>}, {transform_indices = @transform_1, window_bounds = array<i64: 1, 1000, 2048>}]} {
    %get3A = arith.constant 0 : index
    %get3A_0 = arith.constant 0 : index
    %get3A_1 = arith.constant 0 : index
    %get3A_2 = vector.load %arg2[%get3A, %get3A_0, %get3A_1] : memref<2048x4x128xf32, #tpu.memory_space<vmem>>, vector<2048x1x128xf32>
    %get3A_3 = vector.shape_cast %get3A_2 : vector<2048x1x128xf32> to vector<2048x128xf32>
    %bitcast_convert_type3A = tpu.bitcast %get3A_3 : vector<2048x128xf32> -> vector<2048x128xi32>
    %transpose3A = tpu.transpose %bitcast_convert_type3A, [1, 0] : vector<2048x128xi32> -> vector<128x2048xi32>
    %shift_left3A = arith.constant 16 : i32
    %shift_left3A_4 = vector.broadcast %shift_left3A : i32 to vector<128x2048xi32>
    %shift_left3A_5 = arith.shli %transpose3A, %shift_left3A_4 : vector<128x2048xi32>
    %bitcast_convert_type3A_6 = tpu.bitcast %shift_left3A_5 : vector<128x2048xi32> -> vector<128x2048xf32>
    %and3A = arith.constant -65536 : i32
    %and3A_7 = vector.broadcast %and3A : i32 to vector<128x2048xi32>
    %and3A_8 = arith.andi %transpose3A, %and3A_7 : vector<128x2048xi32>
    %bitcast_convert_type3A_9 = tpu.bitcast %and3A_8 : vector<128x2048xi32> -> vector<128x2048xf32>
    %swap3A = arith.constant 0 : index
    %swap3A_10 = arith.constant 0 : index
    %swap3A_11 = arith.constant 0 : index
    %swap3A_12 = vector.load %arg3[%swap3A, %swap3A_10, %swap3A_11] : memref<1x1000x2048xf32, #tpu.memory_space<vmem>>, vector<1x128x2048xf32>
    %swap3A_13 = vector.shape_cast %swap3A_12 : vector<1x128x2048xf32> to vector<128x2048xf32>
    %swap3A_14 = vector.shape_cast %bitcast_convert_type3A_6 : vector<128x2048xf32> to vector<1x128x2048xf32>
    tpu.vector_store %arg3[%swap3A, %swap3A_10, %swap3A_11], %swap3A_14 {strides = array<i32>} : memref<1x1000x2048xf32, #tpu.memory_space<vmem>>, vector<1x128x2048xf32>,
    %swap3A_15 = arith.constant 0 : index
    %swap3A_16 = arith.constant 512 : index
    %swap3A_17 = arith.constant 0 : index
    %swap3A_18 = vector.load %arg3[%swap3A_15, %swap3A_16, %swap3A_17] : memref<1x1000x2048xf32, #tpu.memory_space<vmem>>, vector<1x128x2048xf32>
    %swap3A_19 = vector.shape_cast %swap3A_18 : vector<1x128x2048xf32> to vector<128x2048xf32>
    %swap3A_20 = vector.shape_cast %bitcast_convert_type3A_9 : vector<128x2048xf32> to vector<1x128x2048xf32>
    tpu.vector_store %arg3[%swap3A_15, %swap3A_16, %swap3A_17], %swap3A_20 {strides = array<i32>} : memref<1x1000x2048xf32, #tpu.memory_space<vmem>>, vector<1x128x2048xf32>,
    %get3A_21 = arith.constant 0 : index
    %get3A_22 = arith.constant 1 : index
    %get3A_23 = arith.constant 0 : index
    %get3A_24 = vector.load %arg2[%get3A_21, %get3A_22, %get3A_23] : memref<2048x4x128xf32, #tpu.memory_space<vmem>>, vector<2048x1x128xf32>
    %get3A_25 = vector.shape_cast %get3A_24 : vector<2048x1x128xf32> to vector<2048x128xf32>
    %bitcast_convert_type3A_26 = tpu.bitcast %get3A_25 : vector<2048x128xf32> -> vector<2048x128xi32>
    %transpose3A_27 = tpu.transpose %bitcast_convert_type3A_26, [1, 0] : vector<2048x128xi32> -> vector<128x2048xi32>
    %shift_left3A_28 = arith.constant 16 : i32
    %shift_left3A_29 = vector.broadcast %shift_left3A_28 : i32 to vector<128x2048xi32>
    %shift_left3A_30 = arith.shli %transpose3A_27, %shift_left3A_29 : vector<128x2048xi32>
    %bitcast_convert_type3A_31 = tpu.bitcast %shift_left3A_30 : vector<128x2048xi32> -> vector<128x2048xf32>
    %and3A_32 = arith.constant -65536 : i32
    %and3A_33 = vector.broadcast %and3A_32 : i32 to vector<128x2048xi32>
    %and3A_34 = arith.andi %transpose3A_27, %and3A_33 : vector<128x2048xi32>
    %bitcast_convert_type3A_35 = tpu.bitcast %and3A_34 : vector<128x2048xi32> -> vector<128x2048xf32>
    %swap3A_36 = arith.constant 0 : index
    %swap3A_37 = arith.constant 128 : index
    %swap3A_38 = arith.constant 0 : index
    %swap3A_39 = vector.load %arg3[%swap3A_36, %swap3A_37, %swap3A_38] : memref<1x1000x2048xf32, #tpu.memory_space<vmem>>, vector<1x128x2048xf32>
    %swap3A_40 = vector.shape_cast %swap3A_39 : vector<1x128x2048xf32> to vector<128x2048xf32>
    %swap3A_41 = vector.shape_cast %bitcast_convert_type3A_31 : vector<128x2048xf32> to vector<1x128x2048xf32>
    tpu.vector_store %arg3[%swap3A_36, %swap3A_37, %swap3A_38], %swap3A_41 {strides = array<i32>} : memref<1x1000x2048xf32, #tpu.memory_space<vmem>>, vector<1x128x2048xf32>,
    %swap3A_42 = arith.constant 0 : index
    %swap3A_43 = arith.constant 640 : index
    %swap3A_44 = arith.constant 0 : index
    %swap3A_45 = vector.load %arg3[%swap3A_42, %swap3A_43, %swap3A_44] : memref<1x1000x2048xf32, #tpu.memory_space<vmem>>, vector<1x128x2048xf32>
    %swap3A_46 = vector.shape_cast %swap3A_45 : vector<1x128x2048xf32> to vector<128x2048xf32>
    %swap3A_47 = vector.shape_cast %bitcast_convert_type3A_35 : vector<128x2048xf32> to vector<1x128x2048xf32>
    tpu.vector_store %arg3[%swap3A_42, %swap3A_43, %swap3A_44], %swap3A_47 {strides = array<i32>} : memref<1x1000x2048xf32, #tpu.memory_space<vmem>>, vector<1x128x2048xf32>,
    %get3A_48 = arith.constant 0 : index
    %get3A_49 = arith.constant 2 : index
    %get3A_50 = arith.constant 0 : index
    %get3A_51 = vector.load %arg2[%get3A_48, %get3A_49, %get3A_50] : memref<2048x4x128xf32, #tpu.memory_space<vmem>>, vector<2048x1x128xf32>
    %get3A_52 = vector.shape_cast %get3A_51 : vector<2048x1x128xf32> to vector<2048x128xf32>
    %bitcast_convert_type3A_53 = tpu.bitcast %get3A_52 : vector<2048x128xf32> -> vector<2048x128xi32>
    %transpose3A_54 = tpu.transpose %bitcast_convert_type3A_53, [1, 0] : vector<2048x128xi32> -> vector<128x2048xi32>
    %shift_left3A_55 = arith.constant 16 : i32
    %shift_left3A_56 = vector.broadcast %shift_left3A_55 : i32 to vector<128x2048xi32>
    %shift_left3A_57 = arith.shli %transpose3A_54, %shift_left3A_56 : vector<128x2048xi32>
    %bitcast_convert_type3A_58 = tpu.bitcast %shift_left3A_57 : vector<128x2048xi32> -> vector<128x2048xf32>
    %and3A_59 = arith.constant -65536 : i32
    %and3A_60 = vector.broadcast %and3A_59 : i32 to vector<128x2048xi32>
    %and3A_61 = arith.andi %transpose3A_54, %and3A_60 : vector<128x2048xi32>
    %bitcast_convert_type3A_62 = tpu.bitcast %and3A_61 : vector<128x2048xi32> -> vector<128x2048xf32>
    %swap3A_63 = arith.constant 0 : index
    %swap3A_64 = arith.constant 256 : index
    %swap3A_65 = arith.constant 0 : index
    %swap3A_66 = vector.load %arg3[%swap3A_63, %swap3A_64, %swap3A_65] : memref<1x1000x2048xf32, #tpu.memory_space<vmem>>, vector<1x128x2048xf32>
    %swap3A_67 = vector.shape_cast %swap3A_66 : vector<1x128x2048xf32> to vector<128x2048xf32>
    %swap3A_68 = vector.shape_cast %bitcast_convert_type3A_58 : vector<128x2048xf32> to vector<1x128x2048xf32>
    tpu.vector_store %arg3[%swap3A_63, %swap3A_64, %swap3A_65], %swap3A_68 {strides = array<i32>} : memref<1x1000x2048xf32, #tpu.memory_space<vmem>>, vector<1x128x2048xf32>,
    %swap3A_69 = arith.constant 0 : index
    %swap3A_70 = arith.constant 768 : index
    %swap3A_71 = arith.constant 0 : index
    %swap3A_72 = vector.load %arg3[%swap3A_69, %swap3A_70, %swap3A_71] : memref<1x1000x2048xf32, #tpu.memory_space<vmem>>, vector<1x128x2048xf32>
    %swap3A_73 = vector.shape_cast %swap3A_72 : vector<1x128x2048xf32> to vector<128x2048xf32>
    %swap3A_74 = vector.shape_cast %bitcast_convert_type3A_62 : vector<128x2048xf32> to vector<1x128x2048xf32>
    tpu.vector_store %arg3[%swap3A_69, %swap3A_70, %swap3A_71], %swap3A_74 {strides = array<i32>} : memref<1x1000x2048xf32, #tpu.memory_space<vmem>>, vector<1x128x2048xf32>,
    %get3A_75 = arith.constant 0 : index
    %get3A_76 = arith.constant 3 : index
    %get3A_77 = arith.constant 0 : index
    %get3A_78 = vector.load %arg2[%get3A_75, %get3A_76, %get3A_77] : memref<2048x4x128xf32, #tpu.memory_space<vmem>>, vector<2048x1x128xf32>
    %get3A_79 = vector.shape_cast %get3A_78 : vector<2048x1x128xf32> to vector<2048x128xf32>
    %bitcast_convert_type3A_80 = tpu.bitcast %get3A_79 : vector<2048x128xf32> -> vector<2048x128xi32>
    %transpose3A_81 = tpu.transpose %bitcast_convert_type3A_80, [1, 0] : vector<2048x128xi32> -> vector<128x2048xi32>
    %shift_left3A_82 = arith.constant 16 : i32
    %shift_left3A_83 = vector.broadcast %shift_left3A_82 : i32 to vector<128x2048xi32>
    %shift_left3A_84 = arith.shli %transpose3A_81, %shift_left3A_83 : vector<128x2048xi32>
    %bitcast_convert_type3A_85 = tpu.bitcast %shift_left3A_84 : vector<128x2048xi32> -> vector<128x2048xf32>
    %and3A_86 = arith.constant -65536 : i32
    %and3A_87 = vector.broadcast %and3A_86 : i32 to vector<128x2048xi32>
    %and3A_88 = arith.andi %transpose3A_81, %and3A_87 : vector<128x2048xi32>
    %bitcast_convert_type3A_89 = tpu.bitcast %and3A_88 : vector<128x2048xi32> -> vector<128x2048xf32>
    %swap3A_90 = arith.constant 0 : index
    %swap3A_91 = arith.constant 384 : index
    %swap3A_92 = arith.constant 0 : index
    %swap3A_93 = vector.load %arg3[%swap3A_90, %swap3A_91, %swap3A_92] : memref<1x1000x2048xf32, #tpu.memory_space<vmem>>, vector<1x128x2048xf32>
    %swap3A_94 = vector.shape_cast %swap3A_93 : vector<1x128x2048xf32> to vector<128x2048xf32>
    %swap3A_95 = vector.shape_cast %bitcast_convert_type3A_85 : vector<128x2048xf32> to vector<1x128x2048xf32>
    tpu.vector_store %arg3[%swap3A_90, %swap3A_91, %swap3A_92], %swap3A_95 {strides = array<i32>} : memref<1x1000x2048xf32, #tpu.memory_space<vmem>>, vector<1x128x2048xf32>,
    %slice3A = vector.extract_strided_slice %bitcast_convert_type3A_89 {offsets = [0, 0], sizes = [104, 2048], strides = [1, 1]} : vector<128x2048xf32> to vector<104x2048xf32>
    %swap3A_96 = arith.constant 0 : index
    %swap3A_97 = arith.constant 896 : index
    %swap3A_98 = arith.constant 0 : index
    %swap3A_99 = vector.load %arg3[%swap3A_96, %swap3A_97, %swap3A_98] : memref<1x1000x2048xf32, #tpu.memory_space<vmem>>, vector<1x104x2048xf32>
    %swap3A_100 = vector.shape_cast %swap3A_99 : vector<1x104x2048xf32> to vector<104x2048xf32>
    %swap3A_101 = vector.shape_cast %slice3A : vector<104x2048xf32> to vector<1x104x2048xf32>
    tpu.vector_store %arg3[%swap3A_96, %swap3A_97, %swap3A_98], %swap3A_101 {strides = array<i32>} : memref<1x1000x2048xf32, #tpu.memory_space<vmem>>, vector<1x104x2048xf32>,
    return
  }
  func.func @transform_0(%arg0: i32, %arg1: i32) -> (i32, i32, i32) {
    %mul3A = arith.constant 1 : i32
    %mul3A_0 = arith.muli %arg0, %mul3A : i32
    %add3A = arith.addi %mul3A_0, %arg1 : i32
    %c0_i32 = arith.constant 0 : i32
    %c0_i32_1 = arith.constant 0 : i32
    %c0_i32_2 = arith.constant 0 : i32
    return %add3A, %c0_i32, %c0_i32_1 : i32, i32, i32
  }
  func.func @transform_1(%arg0: i32, %arg1: i32) -> (i32, i32, i32) {
    %c0_i32 = arith.constant 0 : i32
    %c0_i32_0 = arith.constant 0 : i32
    return %arg0, %c0_i32, %arg1 : i32, i32, i32
  }
}

</mosaic_0001>

<sc_bundles>
// kernel: kernel.5.cloned.1.call-start
scs
__scs_entry_jumppad:
0x0: {  	(pc) =	sbr.rel $0x88, $3  }
0x1: {  	(tag) =	ssettag $0x0;
	lr =	simm.s32 $0x1  }
0x2: {  	[smem:$0x3F9D] =	sst lr;
	_ =	strace $0xD0000000  }
0x3: {  	_ = 	snop  }
0x4: {  	_ = 	snop  }
0x5: {  	_ = 	snop  }
0x6: {  	_ = 	snop  }
0x7: {  	_ = 	snop  }
__scs_overlays_trampoline_lowered:
0x8: {  	[smem:$0x3FAC] =	sst s0  }
0x9: {  	[smem:$0x3FAD] =	sst s1  }
0xa: {  	[smem:$0x3FAE] =	sst s2  }
0xb: {  	[smem:$0x3FAF] =	sst s3  }
0xc: {  	[smem:$0x3FB0] =	sst s4  }
0xd: {  	[smem:$0x3FB1] =	sst s5  }
0xe: {  	[smem:$0x3FB2] =	sst s6  }
0xf: {  	[smem:$0x3FB3] =	sst s7  }
0x10: {  	[smem:$0x3FB4] =	sst s8  }
0x11: {  	[smem:$0x3FB5] =	sst s9;
	s0 =	simm.s32 @!p0 $0x0  }
0x12: {  	s1 =	sld [smem:$0x3F9B];
	s0 =	simm.s32 @p0 $0x1  }
0x13: {  	[smem:$0x3FB6] =	sst s0;
	s0 =	simm.s32 @!p1 $0x0  }
0x14: {  	s2 =	sld [smem:$0x3F9A];
	s0 =	simm.s32 @p1 $0x1  }
0x15: {  	[smem:$0x3FB7] =	sst s0;
	s0 =	simm.s32 @!p2 $0x0  }
0x16: {  	s3 =	sld [smem:$0x3FDB];
	s0 =	simm.s32 @p2 $0x1  }
0x17: {  	s4 =	simm.s32 $0x1BF5;
	[smem:$0x3FB9] =	sst s0  }
0x18: {  	s0 =	sld [smem:$0x3F9C];
	_ =	swait.ge [sflag:s4], $0x0  }
0x19: {  	s7 =	sld [smem:$0x3F9D]  }
0x1a: {  	s8 =	sadd.s32 $0xFFFFE003, lr  }
0x1b: {  	s9 =	sadd.s32 $0xFFFFFEF7, lr;
	s5 =	simm.s32 $0xFFFFFFFF;
	p2 =	slt.u32 s8, $0xFFFFF086  }
0x1c: {  	p1 =	slt.u32 s9, $0xF7A;
	s5 =	simm.s32 @!p2 $0x0  }
0x1d: {  	s5 =	simm.s32 @p1 $0x1;
	p0 =	seq.s32 s7, s2  }
0x1e: {  	s7 =	smul.u32 @!p0 $0xF7A, s2;
	p2 =	seq.s32 @!p0 s5, $0x0  }
0x1f: {  	s9 =	smul.u32 $0xF7A, s1;
	s8 =	simm.s32 @!p0 $0x1BF5;
	p2 =	por !p2, p0  }
0x20: {  	[sflag:s8] =	ssyncset.s32 @!p0 $0xFFFFF086;
	s6 =	sadd.s32 @!p0 s3, s7;
	s7 =	simm.s32 @!p0 $0x108  }
0x21: {  	s3 =	sadd.s32 s3, s9;
	s6 =	sadd.s32 @!p0 $0x88, s6;
	s7 =	simm.s32 @p2 $0x1082  }
0x22: {  	[simem:s7], [sflag:s8] =	dma.local @!p0 [hbm:s6], $0xF7A  }
0x23: {  	s9 =	sor.u32 $0xD0000000, s2;
	s6 =	simm.s32 $0x108;
	_ =	swait.ge @!p0 [sflag:s8], $0x0  }
0x24: {  	s3 =	sadd.s32 $0x88, s3;
	s6 =	simm.s32 @!p1 $0x1082;
	[sflag:s4] =	ssyncset.s32 $0xFFFFF086  }
0x25: {  	[simem:s6], [sflag:s4] =	dma.local [hbm:s3], $0xF7A  }
0x26: {  	[smem:$0x3F9D] =	sst s1;
	(tag) =	ssettag s2;
	_ =	strace s9  }
0x27: {  	s1 =	sld [smem:$0x3FAD]  }
0x28: {  	s2 =	sld [smem:$0x3FAE]  }
0x29: {  	s4 =	sld [smem:$0x3FB0]  }
0x2a: {  	p0 =	seq.s32 s5, $0x0;
	s5 =	sld [smem:$0x3FB1]  }
0x2b: {  	s6 =	sld [smem:$0x3FB2]  }
0x2c: {  	s7 =	sld [smem:$0x3FB3]  }
0x2d: {  	s3 =	simm.s32 $0x108;
	s8 =	sld [smem:$0x3FB4]  }
0x2e: {  	s3 =	simm.s32 @!p0 $0x1082;
	s9 =	sld [smem:$0x3FB5]  }
0x2f: {  	lr =	sadd.s32 s0, s3;
	s0 =	sld [smem:$0x3FAC]  }
0x30: {  	s3 =	sld [smem:$0x3FAF]  }
0x31: {  	[smem:$0x3FB8] =	sst s10  }
0x32: {  	s10 =	sld [smem:$0x3FB6];
	_ =	sdelay $0x3  }
0x33: {  	p0 =	seq.s32 s10, $0x1;
	s10 =	sld [smem:$0x3FB8];
	_ =	sdelay $0x3  }
0x34: {  	[smem:$0x3FB8] =	sst s10  }
0x35: {  	s10 =	sld [smem:$0x3FB7];
	_ =	sdelay $0x3  }
0x36: {  	p1 =	seq.s32 s10, $0x1;
	s10 =	sld [smem:$0x3FB8];
	_ =	sdelay $0x3  }
0x37: {  	[smem:$0x3FB8] =	sst s10  }
0x38: {  	s10 =	sld [smem:$0x3FB9]  }
0x39: {  	_ = 	snop;
	(pc) =	sbr.ind lr, $3  }
0x3a: {  	_ = 	snop  }
0x3b: {  	_ = 	snop  }
0x3c: {  	p2 =	seq.s32 s10, $0x1;
	s10 =	sld [smem:$0x3FB8]  }
0x3d: {  	_ =	shalt  }
0x3e: {  	_ =	shalt  }
0x3f: {  	_ =	shalt  }
0x40: {  	_ =	shalt  }
0x41: {  	_ =	shalt  }
0x42: {  	_ =	shalt  }
0x43: {  	_ =	shalt  }
0x44: {  	_ =	shalt  }
0x45: {  	_ =	shalt  }
0x46: {  	_ =	shalt  }
0x47: {  	_ =	shalt  }
0x48: {  	_ =	shalt  }
0x49: {  	_ =	shalt  }
0x4a: {  	_ =	shalt  }
0x4b: {  	_ =	shalt  }
0x4c: {  	_ =	shalt  }
0x4d: {  	_ =	shalt  }
0x4e: {  	_ =	shalt  }
0x4f: {  	_ =	shalt  }
0x50: {  	_ =	shalt  }
0x51: {  	_ =	shalt  }
0x52: {  	_ =	shalt  }
0x53: {  	_ =	shalt  }
0x54: {  	_ =	shalt  }
0x55: {  	_ =	shalt  }
0x56: {  	_ =	shalt  }
0x57: {  	_ =	shalt  }
0x58: {  	_ =	shalt  }
0x59: {  	_ =	shalt  }
0x5a: {  	_ =	shalt  }
0x5b: {  	_ =	shalt  }
0x5c: {  	_ =	shalt  }
0x5d: {  	_ =	shalt  }
0x5e: {  	_ =	shalt  }
0x5f: {  	_ =	shalt  }
0x60: {  	_ =	shalt  }
0x61: {  	_ =	shalt  }
0x62: {  	_ =	shalt  }
0x63: {  	_ =	shalt  }
0x64: {  	_ =	shalt  }
0x65: {  	_ =	shalt  }
0x66: {  	_ =	shalt  }
0x67: {  	_ =	shalt  }
0x68: {  	_ =	shalt  }
0x69: {  	_ =	shalt  }
0x6a: {  	_ =	shalt  }
0x6b: {  	_ =	shalt  }
0x6c: {  	_ =	shalt  }
0x6d: {  	_ =	shalt  }
0x6e: {  	_ =	shalt  }
0x6f: {  	_ =	shalt  }
0x70: {  	_ =	shalt  }
0x71: {  	_ =	shalt  }
0x72: {  	_ =	shalt  }
0x73: {  	_ =	shalt  }
0x74: {  	_ =	shalt  }
0x75: {  	_ =	shalt  }
0x76: {  	_ =	shalt  }
0x77: {  	_ =	shalt  }
0x78: {  	_ =	shalt  }
0x79: {  	_ =	shalt  }
0x7a: {  	_ =	shalt  }
0x7b: {  	_ =	shalt  }
0x7c: {  	_ =	shalt  }
0x7d: {  	_ =	shalt  }
0x7e: {  	_ =	shalt  }
0x7f: {  	_ =	shalt  }
0x80: {  	_ =	shalt  }
0x81: {  	_ =	shalt  }
0x82: {  	_ =	shalt  }
0x83: {  	_ =	shalt  }
0x84: {  	_ =	shalt  }
0x85: {  	_ =	shalt  }
0x86: {  	_ =	shalt  }
0x87: {  	_ =	shalt  }
.Lfunc_end0:
.L_simem_size_0:
called_computation_lowered:
.L_overlay_start_0:
0x88: {  	s2 =	sld [smem:$0x3FD9]  }
0x89: {  	s3 =	sld [smem:$0x3FFE];
	_ =	sdelay $0x1  }
0x8a: {  	s1 =	srdreg.scid  }
0x8b: {  	s0 =	sand.u32 $0x1, s1  }
0x8c: {  	s17 =	sshll.u32 s0, $0xA;
	s2 =	sadd.s32 s3, s2  }
0x8d: {  	s2 =	sadd.s32 s2, s17  }
0x8e: {  	[smem:$0x3FC4] =	sst s2  }
0x8f: {  	_ = 	snop  }
0x90: {  	s2 =	sld [smem:$0x3FD0];
	(tm) =	ssettm $0x1  }
0x91: {  	s18 =	sld [smem:$0x3FFB];
	_ =	sdelay $0x3  }
0x92: {  	_ =	strace s18  }
0x93: {  	s3 =	sld [smem:$0x3FFC];
	_ =	sdelay $0x3  }
0x94: {  	_ =	strace s3  }
0x95: {  	s3 =	sld [smem:$0x3FFD];
	_ =	sdelay $0x3  }
0x96: {  	_ =	strace s3  }
0x97: {  	_ =	strace $0x8FFFFFFF  }
0x98: {  	s19 =	sld [smem:$0x3FDB];
	_ =	sdelay $0x1  }
0x99: {  	s4 =	simm.s32 $_scs_section_size  }
0x9a: {  	s5 =	simm.s32 $_size__tile_overlayer_lowered;
	s6 =	simm.s32 $_tile_overlayer_lowered  }
0x9b: {  	s22 =	simm.s32 $0x1BFF;
	s21 =	sshll.u32 s6, $0x1;
	s3 =	sadd.s32 s4, s19  }
0x9c: {  	s7 =	simm.s32 $0x0;
	s20 =	sshll.u32 s5, $0x1;
	s5 =	sadd.s32 s21, s3  }
0x9d: {  	[timem:s7], [sflag:s22] =	dma.local [hbm:s5], s20  }
0x9e: {  	_ =	swait.ge [sflag:s22], s20  }
0x9f: {  	s4 =	ssub.s32 $0x0, s20;
	[sflag:s22] =	ssyncset.done $0x0  }
0xa0: {  	[sflag:s22] =	ssyncadd.s32 s4;
	_ =	sdelay $0x1  }
0xa1: {  	s23 =	simm.s32 $0x1B8B  }
0xa2: {  	_ =	swait.ge [sflag:s23], $0x1  }
0xa3: {  	[sflag:s23] =	ssyncset.done $0x0  }
0xa4: {  	s25 =	simm.s32 $0x1B8E;
	s24 =	sld [smem:$0x3FFE];
	[sflag:s23] =	ssyncadd.s32 $0xFFFFFFFF  }
0xa5: {  	s26 =	simm.s32 $execute0_lowered;
	[smem:$0x3FD2] =	sst s25  }
0xa6: {  	s5 =	sshll.u32 s26, $0x1;
	_ =	strace $0x80000046;
	[dreg:$0x1] =	wrdreg $0xFFFFFFFF  }
0xa7: {  	s28 =	simm.s32 $_size_execute0_lowered;
	s3 =	sadd.s32 s3, s5;
	[dreg:$0x0] =	wrdreg $0x0  }
0xa8: {  	s5 =	sshll.u32 s28, $0x1;
	[dreg:$0x2] =	wrdreg s3  }
0xa9: {  	[dreg:$0x3] =	wrdreg s5  }
0xaa: {  	[dreg:$0x4] =	wrdreg $0xC0  }
0xab: {  	_ =	task [dreg:s7], $0x5FFFF  }
0xac: {  	[dreg:$0x1] =	wrdreg $0xFFFFFFFF  }
0xad: {  	[dreg:$0x0] =	wrdreg $0x60  }
0xae: {  	[dreg:$0x2] =	wrdreg s24  }
0xaf: {  	[dreg:$0x3] =	wrdreg s2  }
0xb0: {  	[dreg:$0x4] =	wrdreg $0x9  }
0xb1: {  	_ =	task.clear_ibuf [dreg:s7], $0x5FFFF;
	_ =	strace $0x90000046  }
0xb2: {  	s29 =	simm.s32 $0x9;
	_ =	strace $0x80000048  }
0xb3: {  	_ =	swait.ge [sflag:s29], $0x1  }
0xb4: {  	[sflag:s29] =	ssyncadd.s32 $0xFFFFFFFF  }
0xb5: {  	_ =	strace $0x90000048  }
0xb6: {  	_ =	sfence  }
0xb7: {  	s30 =	sld [smem:$0x0];
	_ =	sdelay $0x2  }
0xb8: {  	s31 =	sshll.u32 s1, $0xD;
	s1 =	sshrl.u32 s1, $0x2  }
0xb9: {  	s3 =	sand.u32 $0x4000, s31;
	s1 =	sadd.s32 s1, s30  }
0xba: {  	s0 =	sor.u32 s3, s0;
	s1 =	sshll.u32 s1, $0x11  }
0xbb: {  	s0 =	sor.u32 s1, s0  }
0xbc: {  	s0 =	sadd.s32 $0x8F2B, s0  }
0xbd: {  	[sflag:s0] =	ssyncadd.remote.s32 $0x1  }
0xbe: {  	_ =	sfence.sel $0xFFFF  }
0xbf: {  	[dreg:$0x0] =	wrdreg $0xFFFFFFFF;
	(pc) =	sbr.abs _section_cstart, $3  }
0xc0: {  	[dreg:$0x1] =	wrdreg $0xFFFFFFFF  }
0xc1: {  	_ =	task.clear_ibuf [dreg:s7], $0x2FFFF;
	_ =	strace $0x9FFFFFFF  }
0xc2: {  	(tm) =	ssettm $0x7FFFFFFF  }
0xc3: {  	_ =	shalt  }
tec
execute0_lowered:
.L_overlay_start_1:
0x0: {  	(tag) =	ssettag $0x1  }
0x1: {  	s1 =	srdreg.scid  }
0x2: {  	s0 =	stileid.u32;
	s11 =	sand.u32 $0x1, s1  }
0x3: {  	s5 =	rddreg [dreg:$0x0];
	s30 =	sshll.u32 s0, $0x8;
	s2 =	sshll.u32 s11, $0x7  }
0x4: {  	s10 =	rddreg [dreg:$0x1];
	s12 =	sor.u32 s2, s30  }
0x5: {  	s1 =	rddreg [dreg:$0x2];
	s2 =	simm.s32 $0x0;
	s3 =	sshrl.u32 s12, $0x3  }
0x6: {  	[smem:$0x7FF] =	sst s2;
	s3 =	sadd.s32 s3, s5  }
0x7: {  	_ =	strace $0x80000047;
	s4 =	sadd.s32 $0xE00, s3;
	s3 =	simm.s32 $0x3  }
0x8: {  	[tilespmem:s2], [sflag:$0x3] =	stream.linear.gather [hbm4b:s4+s2], $0x80, $0x38;
	[tilespmem:$0x10080] =	vst v63  }
0x9: {  	_ =	swait.ge [sflag:s3], $0x80  }
0xa: {  	s6 =	simm.s32 $0x40;
	[sflag:s3] =	ssyncset.done $0x0  }
0xb: {  	s7 =	simm.s32 $0x80;
	s5 =	sadd.s32 $0x1000, s5;
	[sflag:s3] =	ssyncadd.s32 $0xFFFFFF80  }
0xc: {  	[tilespmem:s7], [sflag:$0x1] =	stream.indirect.gather [hbm4b:s5+s6], $0x200, s2, s6, $0xb8;
	[tilespmem:$0x10080] =	vst v63  }
0xd: {  	s8 =	simm.s32 $0x8080;
	s9 =	simm.s32 $0x1  }
0xe: {  	[tilespmem:s8], [sflag:$0x2] =	stream.indirect.gather [hbm4b:s5+s6], $0x200, s6, s6, $0xb8;
	[tilespmem:$0x10080] =	vst v63  }
0xf: {  	_ =	swait.ge [sflag:s9], $0x8000  }
0x10: {  	s12 =	sshll.u32 s12, $0x6;
	[sflag:s9] =	ssyncset.done $0x0  }
0x11: {  	s31 =	ssub.s32 $0x2, s11;
	s10 =	sadd.s32 s10, s12;
	[sflag:s9] =	ssyncadd.s32 $0xFFFF8000  }
0x12: {  	[hbm4b:s10+s2] =	stream.linear.scatter [tilespmem:s7], [sflag:$0x3], $0x8000, $0x38;
	[tilespmem:$0x10080] =	vst v63  }
0x13: {  	s13 =	sshrl.u32 s31, $0x1;
	_ =	swait.ge [sflag:s3], $0x8000  }
0x14: {  	s13 =	ssub.s32 s31, s13;
	[sflag:s3] =	ssyncset.done $0x0  }
0x15: {  	s11 =	simm.s32 $0x2;
	s13 =	smax.u32 s13, $0x1;
	[sflag:s3] =	ssyncadd.s32 $0xFFFF8000  }
0x16: {  	p0 =	sne.s32 s13, $0x1;
	_ =	swait.ge [sflag:s11], $0x8000  }
.Ltmp0:
0x17: {  	[sflag:s11] =	ssyncset.done $0x0;
	(pc) =	sbr.rel @!p0 .LBB2_2-.Ltmp0, $4  }
0x18: {  	s12 =	sadd.s32 $0x1000, s10;
	[sflag:s11] =	ssyncadd.s32 $0xFFFF8000  }
0x19: {  	[hbm4b:s12+s2] =	stream.linear.scatter [tilespmem:s8], [sflag:$0x3], $0x8000, $0x38;
	[tilespmem:$0x10080] =	vst v63  }
0x1a: {  	_ =	swait.ge [sflag:s3], $0x8000  }
0x1b: {  	s13 =	sadd.s32 $0xFFFFFFFF, s13;
	[sflag:s3] =	ssyncset.done $0x0  }
.LBB2_1:
0x1c: {  	p0 =	sne.s32 s13, $0x1;
	s13 =	sadd.s32 $0xFFFFFFFF, s13;
	[sflag:s3] =	ssyncadd.s32 $0xFFFF8000  }
0x1d: {  	[tilespmem:s2], [sflag:$0x3] =	stream.linear.gather [hbm4b:s4+s2], $0x80, $0x38;
	[tilespmem:$0x10080] =	vst v63  }
0x1e: {  	_ =	swait.ge [sflag:s3], $0x80  }
0x1f: {  	[sflag:s3] =	ssyncset.done $0x0  }
0x20: {  	[sflag:s3] =	ssyncadd.s32 $0xFFFFFF80  }
0x21: {  	[tilespmem:s7], [sflag:$0x1] =	stream.indirect.gather [hbm4b:s5+s6], $0x200, s2, s6, $0xb8;
	[tilespmem:$0x10080] =	vst v63  }
0x22: {  	_ = 	snop  }
0x23: {  	[tilespmem:s8], [sflag:$0x2] =	stream.indirect.gather [hbm4b:s5+s6], $0x200, s6, s6, $0xb8;
	[tilespmem:$0x10080] =	vst v63  }
0x24: {  	_ =	swait.ge [sflag:s9], $0x8000  }
0x25: {  	[sflag:s9] =	ssyncset.done $0x0  }
0x26: {  	[sflag:s9] =	ssyncadd.s32 $0xFFFF8000  }
0x27: {  	[hbm4b:s10+s2] =	stream.linear.scatter [tilespmem:s7], [sflag:$0x3], $0x8000, $0x38;
	[tilespmem:$0x10080] =	vst v63  }
0x28: {  	_ =	swait.ge [sflag:s3], $0x8000  }
0x29: {  	[sflag:s3] =	ssyncset.done $0x0  }
0x2a: {  	[sflag:s3] =	ssyncadd.s32 $0xFFFF8000  }
0x2b: {  	_ =	swait.ge [sflag:s11], $0x8000  }
.Ltmp1:
0x2c: {  	[sflag:s11] =	ssyncset.done $0x0;
	(pc) =	sbr.rel @p0 .LBB2_1-.Ltmp1, $4  }
0x2d: {  	[sflag:s11] =	ssyncadd.s32 $0xFFFF8000  }
0x2e: {  	[hbm4b:s12+s2] =	stream.linear.scatter [tilespmem:s8], [sflag:$0x3], $0x8000, $0x38;
	[tilespmem:$0x10080] =	vst v63  }
0x2f: {  	_ =	swait.ge [sflag:s3], $0x8000  }
0x30: {  	[sflag:s3] =	ssyncset.done $0x0  }
.LBB2_2:
0x31: {  	[sflag:s3] =	ssyncadd.s32 $0xFFFF8000  }
0x32: {  	_ =	sfence.sel $0x180000  }
0x33: {  	[bflag:$0x0] =	sbarrier.arrive $0xFFFF  }
0x34: {  	p0 =	sne.s32 s0, $0x0;
	_ =	strace $0x90000047  }
0x35: {  	s0 =	sadd.s32 @!p0 $0x100000, s1;
	[bflag:$0x2] =	sbarrier.arrive $0xFFFF  }
0x36: {  	[sflag:s0] =	ssyncadd.tile.s32 @!p0 $0x1;
	_ =	shalt  }
.Lfunc_end2:
_tile_overlayer_lowered:
.L_overlay_start_2:
0x37: {  	(tag) =	ssettag $0x2  }
0x38: {  	s0 =	rddreg [dreg:$0x0];
	s2 =	stileid.u32  }
0x39: {  	s1 =	rddreg [dreg:$0x1];
	p0 =	sne.s32 s2, $0x0  }
0x3a: {  	s3 =	rddreg [dreg:$0x2];
	[bflag:$0x3] =	sbarrier.arrive $0xFFFF;
	s2 =	simm.s32 @!p0 $0x1C03  }
0x3b: {  	[timem:s3], [sflag:s2] =	dma.local @!p0 [hbm:s0], s1  }
0x3c: {  	s0 =	simm.s32 @!p0 $0x3  }
0x3d: {  	_ =	swait.ge @!p0 [sflag:s0], s1  }
0x3e: {  	s1 =	ssub.s32 @!p0 $0x0, s1;
	[sflag:s0] =	ssyncset.done @!p0 $0x0  }
0x3f: {  	[sflag:s0] =	ssyncadd.s32 @!p0 s1  }
0x40: {  	[bflag:$0x3] =	sbarrier.arrive $0xFFFF  }
0x41: {  	_ =	shalt  }

</sc_bundles>
